<compile_context>
chip_gen: v7x
topology: tpu7x:2x2x1
jax: 0.10.2.dev20260603
libtpu: 0.0.44.dev20260713+nightly
codegen_flags: <defaults>
</compile_context>

<pallas_src>
import functools
import jax
import jax.numpy as jnp
from jax import lax
from jax.experimental import pallas as pl
from jax.experimental.pallas import tpu as pltpu, tpu_sc as plsc

_CH = 8192


def kernel(sample):
    B, C, T = sample.shape
    NC, NS = 2, 16
    NW = NC * NS
    cols_per_w = T // NW
    n_sub = cols_per_w // _CH
    n_it = B * n_sub
    x = sample.reshape(B * C, T)

    mesh = plsc.VectorSubcoreMesh(
        core_axis_name="c", subcore_axis_name="s", num_cores=NC, num_subcores=NS
    )

    @functools.partial(
        pl.kernel,
        out_type=jax.ShapeDtypeStruct((B * 2, T), jnp.float32),
        mesh=mesh,
        scratch_types=[
            pltpu.VMEM((3, _CH), jnp.float32),
            pltpu.VMEM((1, _CH), jnp.float32),
            pltpu.VMEM_SHARED((NS * 6, _CH), jnp.float32),
        ],
    )
    def mix(x_hbm, out_hbm, tbuf_in, tbuf_o, spm):
        sid = lax.axis_index("s")
        wid = sid * NC + lax.axis_index("c")
        col0 = wid * cols_per_w
        base = sid * 6

        def body(it, _):
            b = it // n_sub
            off = pl.multiple_of(col0 + (it % n_sub) * _CH, _CH)
            sl = pl.ds(off, _CH)
            pltpu.sync_copy(x_hbm.at[pl.ds(4 * b + 0, 1), sl], spm.at[pl.ds(base + 0, 1)])
            pltpu.sync_copy(x_hbm.at[pl.ds(4 * b + 1, 1), sl], spm.at[pl.ds(base + 1, 1)])
            pltpu.sync_copy(x_hbm.at[pl.ds(4 * b + 2, 1), sl], spm.at[pl.ds(base + 2, 1)])
            pltpu.sync_copy(spm.at[pl.ds(base + 0, 1)], tbuf_in.at[pl.ds(0, 1)])
            pltpu.sync_copy(spm.at[pl.ds(base + 1, 1)], tbuf_in.at[pl.ds(1, 1)])
            pltpu.sync_copy(spm.at[pl.ds(base + 2, 1)], tbuf_in.at[pl.ds(2, 1)])

            @plsc.parallel_loop(0, _CH, 16, unroll=8)
            def compute(i):
                tbuf_o[0, pl.ds(i, 16)] = (
                    tbuf_in[0, pl.ds(i, 16)]
                    + tbuf_in[1, pl.ds(i, 16)]
                    + tbuf_in[2, pl.ds(i, 16)]
                )

            pltpu.sync_copy(tbuf_o.at[pl.ds(0, 1)], spm.at[pl.ds(base + 3, 1)])
            pltpu.sync_copy(spm.at[pl.ds(base + 3, 1)], out_hbm.at[pl.ds(2 * b, 1), sl])
            pltpu.sync_copy(x_hbm.at[pl.ds(4 * b + 3, 1), sl], spm.at[pl.ds(base + 4, 1)])
            pltpu.sync_copy(spm.at[pl.ds(base + 4, 1)], out_hbm.at[pl.ds(2 * b + 1, 1), sl])
            return 0

        lax.fori_loop(0, n_it, body, 0)

    out = mix(x)
    return out.reshape(B, 2, T)

# --- scband reference (transcript-rebuilt; emitter-appended) ---
"""Pipeline reference for scband-mix-transform-27608049779050 (READ-ONLY COPY).

The authoritative reference and input builder live on the scoring server;
editing this copy changes nothing except your own understanding.
"""

import jax, jax.numpy as jnp
import numpy as np

# MixTransform config (from init_kwargs):
#   source_lists = [(0,1,2), 3] -> per-output-channel index lists
#   source_coeffs = None -> all-ones coefficients per list
_SOURCE_LISTS = [np.array([0, 1, 2], dtype=np.int64), np.array([3], dtype=np.int64)]
_SOURCE_COEFFS = [np.ones(3, dtype=np.float32), np.ones(1, dtype=np.float32)]


def setup_inputs(seed: int = 0) -> dict:
    key = jax.random.key(seed)
    sample = jax.random.normal(key, (8, 4, 1048576), dtype=jnp.float32)
    return {"sample": sample}


def reference(sample):
    outs = []
    for sl, sc in zip(_SOURCE_LISTS, _SOURCE_COEFFS):
        sl_j = jnp.asarray(sl)
        sc_j = jnp.asarray(sc)
        # sample.index_select(dim=-2, index=sl) -> jnp.take along axis -2
        sel = jnp.take(sample, sl_j, axis=-2)  # [..., len(sl), T]
        # sc.unsqueeze(-1) * sel, then sum over dim -2
        mixed = jnp.sum(sc_j[:, None] * sel, axis=-2)  # [..., T]
        outs.append(mixed)
    return jnp.stack(outs, axis=-2)  # [..., n_lists, T]

if __name__ == "__main__":
    import jax
    _d = setup_inputs()
    print(jax.jit(kernel)(*tuple(_d.values())))

</pallas_src>

<mosaic_0001>
#map = affine_map<(d0, d1) -> (0, 0)>
module attributes {stable_mosaic.version = 14 : i64} {
  func.func @mix(%arg0: i32, %arg1: i32, %arg2: memref<32x1048576xf32, #tpu.memory_space<hbm>>, %arg3: memref<16x1048576xf32, #tpu.memory_space<hbm>>, %arg4: memref<3x8192xf32, #tpu.memory_space<vmem>>, %arg5: memref<1x8192xf32, #tpu.memory_space<vmem>>, %arg6: memref<96x8192xf32, #tpu.memory_space<vmem_shared>>) attributes {dimension_semantics = [#tpu.dimension_semantics<core_parallel>, #tpu.dimension_semantics<subcore_parallel>], iteration_bounds = array<i64: 2, 16>, scalar_prefetch = 0 : i64, scratch_operands = 3 : i64, tpu.core_type = #tpu.core_type<sc_vector_subcore>, window_params = [{transform_indices = #map}, {transform_indices = #map}]} {
    %mul3A = arith.constant 2 : i32
    %mul3A_0 = arith.muli %arg1, %mul3A : i32
    %add3A = arith.addi %mul3A_0, %arg0 : i32
    %mul3A_1 = arith.constant 32768 : i32
    %mul3A_2 = arith.muli %add3A, %mul3A_1 : i32
    %mul3A_3 = arith.constant 6 : i32
    %mul3A_4 = arith.muli %arg1, %mul3A_3 : i32
    %scan3A = arith.constant 0 : i32
    %scan3A_5 = arith.constant 0 : i32
    %scan3A_6 = arith.constant 32 : i32
    %scan3A_7 = arith.addi %scan3A_5, %scan3A_6 : i32
    %scan3A_8 = arith.constant 1 : i32
    %scan3A_9 = scf.for %scan3A_11 = %scan3A_5 to %scan3A_7 step %scan3A_8 iter_args(%scan3A_12 = %scan3A) -> (i32)  : i32 {
      %jit3A = arith.constant 4 : i32
      %div3A = arith.divsi %scan3A_11, %jit3A : i32
      %sign3A = arith.constant 0 : i32
      %sign3A_13 = arith.cmpi sgt, %scan3A_11, %sign3A : i32
      %sign3A_14 = arith.extui %sign3A_13 : i1 to i32
      %sign3A_15 = arith.constant 0 : i32
      %sign3A_16 = arith.cmpi slt, %scan3A_11, %sign3A_15 : i32
      %sign3A_17 = arith.extui %sign3A_16 : i1 to i32
      %sign3A_18 = arith.subi %sign3A_14, %sign3A_17 : i32
      %sign3A_19 = arith.constant 0 : i32
      %sign3A_20 = arith.cmpi sgt, %jit3A, %sign3A_19 : i32
      %sign3A_21 = arith.extui %sign3A_20 : i1 to i32
      %sign3A_22 = arith.constant 0 : i32
      %sign3A_23 = arith.cmpi slt, %jit3A, %sign3A_22 : i32
      %sign3A_24 = arith.extui %sign3A_23 : i1 to i32
      %sign3A_25 = arith.subi %sign3A_21, %sign3A_24 : i32
      %ne3A = arith.cmpi ne, %sign3A_18, %sign3A_25 : i32
      %rem3A = arith.remsi %scan3A_11, %jit3A : i32
      %ne3A_26 = arith.constant 0 : i32
      %ne3A_27 = arith.cmpi ne, %rem3A, %ne3A_26 : i32
      %and3A = arith.andi %ne3A, %ne3A_27 : i1
      %sub3A = arith.constant 1 : i32
      %sub3A_28 = arith.subi %div3A, %sub3A : i32
      %select_n3A = arith.select %and3A, %sub3A_28, %div3A : i32
      %jit3A_29 = arith.constant 4 : i32
      %eq3A = arith.constant 0 : i32
      %eq3A_30 = arith.cmpi eq, %jit3A_29, %eq3A : i32
      %jit3A_31 = arith.constant 1 : i32
      %select_n3A_32 = arith.select %eq3A_30, %jit3A_31, %jit3A_29 : i32
      %rem3A_33 = arith.remsi %scan3A_11, %select_n3A_32 : i32
      %ne3A_34 = arith.constant 0 : i32
      %ne3A_35 = arith.cmpi ne, %rem3A_33, %ne3A_34 : i32
      %lt3A = arith.constant 0 : i32
      %lt3A_36 = arith.cmpi slt, %rem3A_33, %lt3A : i32
      %lt3A_37 = arith.constant 0 : i32
      %lt3A_38 = arith.cmpi slt, %select_n3A_32, %lt3A_37 : i32
      %ne3A_39 = arith.xori %lt3A_36, %lt3A_38 : i1
      %and3A_40 = arith.andi %ne3A_39, %ne3A_35 : i1
      %add3A_41 = arith.addi %rem3A_33, %select_n3A_32 : i32
      %select_n3A_42 = arith.select %and3A_40, %add3A_41, %rem3A_33 : i32
      %mul3A_43 = arith.constant 8192 : i32
      %mul3A_44 = arith.muli %select_n3A_42, %mul3A_43 : i32
      %add3A_45 = arith.addi %mul3A_2, %mul3A_44 : i32
      %multiple_of3A = tpu.assume_multiple %add3A_45, 8192 : i32
      %mul3A_46 = arith.constant 4 : i32
      %mul3A_47 = arith.muli %mul3A_46, %select_n3A : i32
      %add3A_48 = arith.constant 0 : i32
      %add3A_49 = arith.addi %mul3A_47, %add3A_48 : i32
      %add3A_50 = arith.constant 0 : i32
      %add3A_51 = arith.addi %mul3A_4, %add3A_50 : i32
      "tpu.region"() ({
        %run_scoped3A = tpu.sem_alloc : memref<!tpu.dma_semaphore, #tpu.memory_space<semaphore_mem>>
        %dma_start3A = arith.constant 0 : i32
        %dma_start3A_91 = tpu.memref_slice %arg6[%add3A_51, %dma_start3A] : memref<96x8192xf32, #tpu.memory_space<vmem_shared>> -> memref<1x8192xf32, #tpu.memory_space<vmem_shared>>
        %dma_start3A_92 = tpu.memref_slice %arg2[%add3A_49, %multiple_of3A] : memref<32x1048576xf32, #tpu.memory_space<hbm>> -> memref<1x8192xf32, #tpu.memory_space<hbm>>
        tpu.enqueue_dma source(%dma_start3A_92 : memref<1x8192xf32, #tpu.memory_space<hbm>>) target(%dma_start3A_91 : memref<1x8192xf32, #tpu.memory_space<vmem_shared>>) target_semaphore(%run_scoped3A : memref<!tpu.dma_semaphore, #tpu.memory_space<semaphore_mem>>)
        %dma_wait3A = arith.constant 0 : i32
        %dma_wait3A_93 = tpu.memref_slice %arg6[%add3A_51, %dma_wait3A] : memref<96x8192xf32, #tpu.memory_space<vmem_shared>> -> memref<1x8192xf32, #tpu.memory_space<vmem_shared>>
        %dma_wait3A_94 = tpu.memref_slice %arg2[%add3A_49, %multiple_of3A] : memref<32x1048576xf32, #tpu.memory_space<hbm>> -> memref<1x8192xf32, #tpu.memory_space<hbm>>
        tpu.wait_dma2 semaphore(%run_scoped3A : memref<!tpu.dma_semaphore, #tpu.memory_space<semaphore_mem>>) src(%dma_wait3A_94 : memref<1x8192xf32, #tpu.memory_space<hbm>>) dst(%dma_wait3A_93 : memref<1x8192xf32, #tpu.memory_space<vmem_shared>>)
        tpu.yield
      }) : () -> ()
      %mul3A_52 = arith.constant 4 : i32
      %mul3A_53 = arith.muli %mul3A_52, %select_n3A : i32
      %add3A_54 = arith.constant 1 : i32
      %add3A_55 = arith.addi %mul3A_53, %add3A_54 : i32
      %add3A_56 = arith.constant 1 : i32
      %add3A_57 = arith.addi %mul3A_4, %add3A_56 : i32
      "tpu.region"() ({
        %run_scoped3A = tpu.sem_alloc : memref<!tpu.dma_semaphore, #tpu.memory_space<semaphore_mem>>
        %dma_start3A = arith.constant 0 : i32
        %dma_start3A_91 = tpu.memref_slice %arg6[%add3A_57, %dma_start3A] : memref<96x8192xf32, #tpu.memory_space<vmem_shared>> -> memref<1x8192xf32, #tpu.memory_space<vmem_shared>>
        %dma_start3A_92 = tpu.memref_slice %arg2[%add3A_55, %multiple_of3A] : memref<32x1048576xf32, #tpu.memory_space<hbm>> -> memref<1x8192xf32, #tpu.memory_space<hbm>>
        tpu.enqueue_dma source(%dma_start3A_92 : memref<1x8192xf32, #tpu.memory_space<hbm>>) target(%dma_start3A_91 : memref<1x8192xf32, #tpu.memory_space<vmem_shared>>) target_semaphore(%run_scoped3A : memref<!tpu.dma_semaphore, #tpu.memory_space<semaphore_mem>>)
        %dma_wait3A = arith.constant 0 : i32
        %dma_wait3A_93 = tpu.memref_slice %arg6[%add3A_57, %dma_wait3A] : memref<96x8192xf32, #tpu.memory_space<vmem_shared>> -> memref<1x8192xf32, #tpu.memory_space<vmem_shared>>
        %dma_wait3A_94 = tpu.memref_slice %arg2[%add3A_55, %multiple_of3A] : memref<32x1048576xf32, #tpu.memory_space<hbm>> -> memref<1x8192xf32, #tpu.memory_space<hbm>>
        tpu.wait_dma2 semaphore(%run_scoped3A : memref<!tpu.dma_semaphore, #tpu.memory_space<semaphore_mem>>) src(%dma_wait3A_94 : memref<1x8192xf32, #tpu.memory_space<hbm>>) dst(%dma_wait3A_93 : memref<1x8192xf32, #tpu.memory_space<vmem_shared>>)
        tpu.yield
      }) : () -> ()
      %mul3A_58 = arith.constant 4 : i32
      %mul3A_59 = arith.muli %mul3A_58, %select_n3A : i32
      %add3A_60 = arith.constant 2 : i32
      %add3A_61 = arith.addi %mul3A_59, %add3A_60 : i32
      %add3A_62 = arith.constant 2 : i32
      %add3A_63 = arith.addi %mul3A_4, %add3A_62 : i32
      "tpu.region"() ({
        %run_scoped3A = tpu.sem_alloc : memref<!tpu.dma_semaphore, #tpu.memory_space<semaphore_mem>>
        %dma_start3A = arith.constant 0 : i32
        %dma_start3A_91 = tpu.memref_slice %arg6[%add3A_63, %dma_start3A] : memref<96x8192xf32, #tpu.memory_space<vmem_shared>> -> memref<1x8192xf32, #tpu.memory_space<vmem_shared>>
        %dma_start3A_92 = tpu.memref_slice %arg2[%add3A_61, %multiple_of3A] : memref<32x1048576xf32, #tpu.memory_space<hbm>> -> memref<1x8192xf32, #tpu.memory_space<hbm>>
        tpu.enqueue_dma source(%dma_start3A_92 : memref<1x8192xf32, #tpu.memory_space<hbm>>) target(%dma_start3A_91 : memref<1x8192xf32, #tpu.memory_space<vmem_shared>>) target_semaphore(%run_scoped3A : memref<!tpu.dma_semaphore, #tpu.memory_space<semaphore_mem>>)
        %dma_wait3A = arith.constant 0 : i32
        %dma_wait3A_93 = tpu.memref_slice %arg6[%add3A_63, %dma_wait3A] : memref<96x8192xf32, #tpu.memory_space<vmem_shared>> -> memref<1x8192xf32, #tpu.memory_space<vmem_shared>>
        %dma_wait3A_94 = tpu.memref_slice %arg2[%add3A_61, %multiple_of3A] : memref<32x1048576xf32, #tpu.memory_space<hbm>> -> memref<1x8192xf32, #tpu.memory_space<hbm>>
        tpu.wait_dma2 semaphore(%run_scoped3A : memref<!tpu.dma_semaphore, #tpu.memory_space<semaphore_mem>>) src(%dma_wait3A_94 : memref<1x8192xf32, #tpu.memory_space<hbm>>) dst(%dma_wait3A_93 : memref<1x8192xf32, #tpu.memory_space<vmem_shared>>)
        tpu.yield
      }) : () -> ()
      %add3A_64 = arith.constant 0 : i32
      %add3A_65 = arith.addi %mul3A_4, %add3A_64 : i32
      "tpu.region"() ({
        %run_scoped3A = tpu.sem_alloc : memref<!tpu.dma_semaphore, #tpu.memory_space<semaphore_mem>>
        %dma_start3A = arith.constant 0 : i32
        %dma_start3A_91 = arith.constant 0 : i32
        %dma_start3A_92 = tpu.memref_slice %arg4[%dma_start3A, %dma_start3A_91] : memref<3x8192xf32, #tpu.memory_space<vmem>> -> memref<1x8192xf32, #tpu.memory_space<vmem>>
        %dma_start3A_93 = arith.constant 0 : i32
        %dma_start3A_94 = tpu.memref_slice %arg6[%add3A_65, %dma_start3A_93] : memref<96x8192xf32, #tpu.memory_space<vmem_shared>> -> memref<1x8192xf32, #tpu.memory_space<vmem_shared>>
        %dma_start3A_95 = arith.constant 0 : i32
        %dma_start3A_96 = arith.constant 0 : i32
        %dma_start3A_97 = tpu.memref_slice %arg4[%dma_start3A_95, %dma_start3A_96] : memref<3x8192xf32, #tpu.memory_space<vmem>> -> memref<1x8192xf32, #tpu.memory_space<vmem>>
        %dma_start3A_98 = arith.constant 0 : i32
        %dma_start3A_99 = tpu.memref_slice %arg6[%add3A_65, %dma_start3A_98] : memref<96x8192xf32, #tpu.memory_space<vmem_shared>> -> memref<1x8192xf32, #tpu.memory_space<vmem_shared>>
        tpu.enqueue_dma source(%dma_start3A_99 : memref<1x8192xf32, #tpu.memory_space<vmem_shared>>) target(%dma_start3A_97 : memref<1x8192xf32, #tpu.memory_space<vmem>>) target_semaphore(%run_scoped3A : memref<!tpu.dma_semaphore, #tpu.memory_space<semaphore_mem>>)
        %dma_wait3A = arith.constant 0 : i32
        %dma_wait3A_100 = arith.constant 0 : i32
        %dma_wait3A_101 = tpu.memref_slice %arg4[%dma_wait3A, %dma_wait3A_100] : memref<3x8192xf32, #tpu.memory_space<vmem>> -> memref<1x8192xf32, #tpu.memory_space<vmem>>
        %dma_wait3A_102 = arith.constant 0 : i32
        %dma_wait3A_103 = tpu.memref_slice %arg6[%add3A_65, %dma_wait3A_102] : memref<96x8192xf32, #tpu.memory_space<vmem_shared>> -> memref<1x8192xf32, #tpu.memory_space<vmem_shared>>
        %dma_wait3A_104 = arith.constant 0 : i32
        %dma_wait3A_105 = arith.constant 0 : i32
        %dma_wait3A_106 = tpu.memref_slice %arg4[%dma_wait3A_104, %dma_wait3A_105] : memref<3x8192xf32, #tpu.memory_space<vmem>> -> memref<1x8192xf32, #tpu.memory_space<vmem>>
        %dma_wait3A_107 = arith.constant 0 : i32
        %dma_wait3A_108 = tpu.memref_slice %arg6[%add3A_65, %dma_wait3A_107] : memref<96x8192xf32, #tpu.memory_space<vmem_shared>> -> memref<1x8192xf32, #tpu.memory_space<vmem_shared>>
        tpu.wait_dma2 semaphore(%run_scoped3A : memref<!tpu.dma_semaphore, #tpu.memory_space<semaphore_mem>>) src(%dma_wait3A_108 : memref<1x8192xf32, #tpu.memory_space<vmem_shared>>) dst(%dma_wait3A_106 : memref<1x8192xf32, #tpu.memory_space<vmem>>)
        tpu.yield
      }) : () -> ()
      %add3A_66 = arith.constant 1 : i32
      %add3A_67 = arith.addi %mul3A_4, %add3A_66 : i32
      "tpu.region"() ({
        %run_scoped3A = tpu.sem_alloc : memref<!tpu.dma_semaphore, #tpu.memory_space<semaphore_mem>>
        %dma_start3A = arith.constant 1 : i32
        %dma_start3A_91 = arith.constant 0 : i32
        %dma_start3A_92 = tpu.memref_slice %arg4[%dma_start3A, %dma_start3A_91] : memref<3x8192xf32, #tpu.memory_space<vmem>> -> memref<1x8192xf32, #tpu.memory_space<vmem>>
        %dma_start3A_93 = arith.constant 0 : i32
        %dma_start3A_94 = tpu.memref_slice %arg6[%add3A_67, %dma_start3A_93] : memref<96x8192xf32, #tpu.memory_space<vmem_shared>> -> memref<1x8192xf32, #tpu.memory_space<vmem_shared>>
        %dma_start3A_95 = arith.constant 1 : i32
        %dma_start3A_96 = arith.constant 0 : i32
        %dma_start3A_97 = tpu.memref_slice %arg4[%dma_start3A_95, %dma_start3A_96] : memref<3x8192xf32, #tpu.memory_space<vmem>> -> memref<1x8192xf32, #tpu.memory_space<vmem>>
        %dma_start3A_98 = arith.constant 0 : i32
        %dma_start3A_99 = tpu.memref_slice %arg6[%add3A_67, %dma_start3A_98] : memref<96x8192xf32, #tpu.memory_space<vmem_shared>> -> memref<1x8192xf32, #tpu.memory_space<vmem_shared>>
        tpu.enqueue_dma source(%dma_start3A_99 : memref<1x8192xf32, #tpu.memory_space<vmem_shared>>) target(%dma_start3A_97 : memref<1x8192xf32, #tpu.memory_space<vmem>>) target_semaphore(%run_scoped3A : memref<!tpu.dma_semaphore, #tpu.memory_space<semaphore_mem>>)
        %dma_wait3A = arith.constant 1 : i32
        %dma_wait3A_100 = arith.constant 0 : i32
        %dma_wait3A_101 = tpu.memref_slice %arg4[%dma_wait3A, %dma_wait3A_100] : memref<3x8192xf32, #tpu.memory_space<vmem>> -> memref<1x8192xf32, #tpu.memory_space<vmem>>
        %dma_wait3A_102 = arith.constant 0 : i32
        %dma_wait3A_103 = tpu.memref_slice %arg6[%add3A_67, %dma_wait3A_102] : memref<96x8192xf32, #tpu.memory_space<vmem_shared>> -> memref<1x8192xf32, #tpu.memory_space<vmem_shared>>
        %dma_wait3A_104 = arith.constant 1 : i32
        %dma_wait3A_105 = arith.constant 0 : i32
        %dma_wait3A_106 = tpu.memref_slice %arg4[%dma_wait3A_104, %dma_wait3A_105] : memref<3x8192xf32, #tpu.memory_space<vmem>> -> memref<1x8192xf32, #tpu.memory_space<vmem>>
        %dma_wait3A_107 = arith.constant 0 : i32
        %dma_wait3A_108 = tpu.memref_slice %arg6[%add3A_67, %dma_wait3A_107] : memref<96x8192xf32, #tpu.memory_space<vmem_shared>> -> memref<1x8192xf32, #tpu.memory_space<vmem_shared>>
        tpu.wait_dma2 semaphore(%run_scoped3A : memref<!tpu.dma_semaphore, #tpu.memory_space<semaphore_mem>>) src(%dma_wait3A_108 : memref<1x8192xf32, #tpu.memory_space<vmem_shared>>) dst(%dma_wait3A_106 : memref<1x8192xf32, #tpu.memory_space<vmem>>)
        tpu.yield
      }) : () -> ()
      %add3A_68 = arith.constant 2 : i32
      %add3A_69 = arith.addi %mul3A_4, %add3A_68 : i32
      "tpu.region"() ({
        %run_scoped3A = tpu.sem_alloc : memref<!tpu.dma_semaphore, #tpu.memory_space<semaphore_mem>>
        %dma_start3A = arith.constant 2 : i32
        %dma_start3A_91 = arith.constant 0 : i32
        %dma_start3A_92 = tpu.memref_slice %arg4[%dma_start3A, %dma_start3A_91] : memref<3x8192xf32, #tpu.memory_space<vmem>> -> memref<1x8192xf32, #tpu.memory_space<vmem>>
        %dma_start3A_93 = arith.constant 0 : i32
        %dma_start3A_94 = tpu.memref_slice %arg6[%add3A_69, %dma_start3A_93] : memref<96x8192xf32, #tpu.memory_space<vmem_shared>> -> memref<1x8192xf32, #tpu.memory_space<vmem_shared>>
        %dma_start3A_95 = arith.constant 2 : i32
        %dma_start3A_96 = arith.constant 0 : i32
        %dma_start3A_97 = tpu.memref_slice %arg4[%dma_start3A_95, %dma_start3A_96] : memref<3x8192xf32, #tpu.memory_space<vmem>> -> memref<1x8192xf32, #tpu.memory_space<vmem>>
        %dma_start3A_98 = arith.constant 0 : i32
        %dma_start3A_99 = tpu.memref_slice %arg6[%add3A_69, %dma_start3A_98] : memref<96x8192xf32, #tpu.memory_space<vmem_shared>> -> memref<1x8192xf32, #tpu.memory_space<vmem_shared>>
        tpu.enqueue_dma source(%dma_start3A_99 : memref<1x8192xf32, #tpu.memory_space<vmem_shared>>) target(%dma_start3A_97 : memref<1x8192xf32, #tpu.memory_space<vmem>>) target_semaphore(%run_scoped3A : memref<!tpu.dma_semaphore, #tpu.memory_space<semaphore_mem>>)
        %dma_wait3A = arith.constant 2 : i32
        %dma_wait3A_100 = arith.constant 0 : i32
        %dma_wait3A_101 = tpu.memref_slice %arg4[%dma_wait3A, %dma_wait3A_100] : memref<3x8192xf32, #tpu.memory_space<vmem>> -> memref<1x8192xf32, #tpu.memory_space<vmem>>
        %dma_wait3A_102 = arith.constant 0 : i32
        %dma_wait3A_103 = tpu.memref_slice %arg6[%add3A_69, %dma_wait3A_102] : memref<96x8192xf32, #tpu.memory_space<vmem_shared>> -> memref<1x8192xf32, #tpu.memory_space<vmem_shared>>
        %dma_wait3A_104 = arith.constant 2 : i32
        %dma_wait3A_105 = arith.constant 0 : i32
        %dma_wait3A_106 = tpu.memref_slice %arg4[%dma_wait3A_104, %dma_wait3A_105] : memref<3x8192xf32, #tpu.memory_space<vmem>> -> memref<1x8192xf32, #tpu.memory_space<vmem>>
        %dma_wait3A_107 = arith.constant 0 : i32
        %dma_wait3A_108 = tpu.memref_slice %arg6[%add3A_69, %dma_wait3A_107] : memref<96x8192xf32, #tpu.memory_space<vmem_shared>> -> memref<1x8192xf32, #tpu.memory_space<vmem_shared>>
        tpu.wait_dma2 semaphore(%run_scoped3A : memref<!tpu.dma_semaphore, #tpu.memory_space<semaphore_mem>>) src(%dma_wait3A_108 : memref<1x8192xf32, #tpu.memory_space<vmem_shared>>) dst(%dma_wait3A_106 : memref<1x8192xf32, #tpu.memory_space<vmem>>)
        tpu.yield
      }) : () -> ()
      %parallel_loop3A = arith.constant 0 : i32
      %parallel_loop3A_70 = arith.constant 8192 : i32
      %parallel_loop3A_71 = arith.constant 16 : i32
      scf.for %parallel_loop3A_91 = %parallel_loop3A to %parallel_loop3A_70 step %parallel_loop3A_71  : i32 {
        %parallel_loop3A_92 = arith.constant 0 : i32
        %parallel_loop3A_93 = arith.index_cast %parallel_loop3A_92 : i32 to index
        %parallel_loop3A_94 = arith.index_cast %parallel_loop3A_91 : i32 to index
        %parallel_loop3A_95 = tpu.vector_load %arg4[%parallel_loop3A_93, %parallel_loop3A_94] {strides = array<i32>} : memref<3x8192xf32, #tpu.memory_space<vmem>>, vector<1x16xf32>,
        %parallel_loop3A_96 = vector.shape_cast %parallel_loop3A_95 : vector<1x16xf32> to vector<16xf32>
        %parallel_loop3A_97 = arith.constant 1 : i32
        %parallel_loop3A_98 = arith.index_cast %parallel_loop3A_97 : i32 to index
        %parallel_loop3A_99 = arith.index_cast %parallel_loop3A_91 : i32 to index
        %parallel_loop3A_100 = tpu.vector_load %arg4[%parallel_loop3A_98, %parallel_loop3A_99] {strides = array<i32>} : memref<3x8192xf32, #tpu.memory_space<vmem>>, vector<1x16xf32>,
        %parallel_loop3A_101 = vector.shape_cast %parallel_loop3A_100 : vector<1x16xf32> to vector<16xf32>
        %parallel_loop3A_102 = arith.addf %parallel_loop3A_96, %parallel_loop3A_101 : vector<16xf32>
        %parallel_loop3A_103 = arith.constant 2 : i32
        %parallel_loop3A_104 = arith.index_cast %parallel_loop3A_103 : i32 to index
        %parallel_loop3A_105 = arith.index_cast %parallel_loop3A_91 : i32 to index
        %parallel_loop3A_106 = tpu.vector_load %arg4[%parallel_loop3A_104, %parallel_loop3A_105] {strides = array<i32>} : memref<3x8192xf32, #tpu.memory_space<vmem>>, vector<1x16xf32>,
        %parallel_loop3A_107 = vector.shape_cast %parallel_loop3A_106 : vector<1x16xf32> to vector<16xf32>
        %parallel_loop3A_108 = arith.addf %parallel_loop3A_102, %parallel_loop3A_107 : vector<16xf32>
        %parallel_loop3A_109 = arith.constant 0 : i32
        %parallel_loop3A_110 = arith.index_cast %parallel_loop3A_109 : i32 to index
        %parallel_loop3A_111 = arith.index_cast %parallel_loop3A_91 : i32 to index
        %parallel_loop3A_112 = tpu.vector_load %arg5[%parallel_loop3A_110, %parallel_loop3A_111] {strides = array<i32>} : memref<1x8192xf32, #tpu.memory_space<vmem>>, vector<1x16xf32>,
        %parallel_loop3A_113 = vector.shape_cast %parallel_loop3A_112 : vector<1x16xf32> to vector<16xf32>
        %parallel_loop3A_114 = vector.shape_cast %parallel_loop3A_108 : vector<16xf32> to vector<1x16xf32>
        tpu.vector_store %arg5[%parallel_loop3A_110, %parallel_loop3A_111], %parallel_loop3A_114 {strides = array<i32>} : memref<1x8192xf32, #tpu.memory_space<vmem>>, vector<1x16xf32>,
      } {sc.loop_unroll_factor = 8 : i64, sc.parallel_access}
      %add3A_72 = arith.constant 3 : i32
      %add3A_73 = arith.addi %mul3A_4, %add3A_72 : i32
      "tpu.region"() ({
        %run_scoped3A = tpu.sem_alloc : memref<!tpu.dma_semaphore, #tpu.memory_space<semaphore_mem>>
        %dma_start3A = arith.constant 0 : i32
        %dma_start3A_91 = arith.constant 0 : i32
        %dma_start3A_92 = tpu.memref_slice %arg5[%dma_start3A, %dma_start3A_91] : memref<1x8192xf32, #tpu.memory_space<vmem>> -> memref<1x8192xf32, #tpu.memory_space<vmem>>
        %dma_start3A_93 = arith.constant 0 : i32
        %dma_start3A_94 = tpu.memref_slice %arg6[%add3A_73, %dma_start3A_93] : memref<96x8192xf32, #tpu.memory_space<vmem_shared>> -> memref<1x8192xf32, #tpu.memory_space<vmem_shared>>
        %dma_start3A_95 = arith.constant 0 : i32
        %dma_start3A_96 = tpu.memref_slice %arg6[%add3A_73, %dma_start3A_95] : memref<96x8192xf32, #tpu.memory_space<vmem_shared>> -> memref<1x8192xf32, #tpu.memory_space<vmem_shared>>
        %dma_start3A_97 = arith.constant 0 : i32
        %dma_start3A_98 = arith.constant 0 : i32
        %dma_start3A_99 = tpu.memref_slice %arg5[%dma_start3A_97, %dma_start3A_98] : memref<1x8192xf32, #tpu.memory_space<vmem>> -> memref<1x8192xf32, #tpu.memory_space<vmem>>
        tpu.enqueue_dma source(%dma_start3A_99 : memref<1x8192xf32, #tpu.memory_space<vmem>>) target(%dma_start3A_96 : memref<1x8192xf32, #tpu.memory_space<vmem_shared>>) target_semaphore(%run_scoped3A : memref<!tpu.dma_semaphore, #tpu.memory_space<semaphore_mem>>)
        %dma_wait3A = arith.constant 0 : i32
        %dma_wait3A_100 = arith.constant 0 : i32
        %dma_wait3A_101 = tpu.memref_slice %arg5[%dma_wait3A, %dma_wait3A_100] : memref<1x8192xf32, #tpu.memory_space<vmem>> -> memref<1x8192xf32, #tpu.memory_space<vmem>>
        %dma_wait3A_102 = arith.constant 0 : i32
        %dma_wait3A_103 = tpu.memref_slice %arg6[%add3A_73, %dma_wait3A_102] : memref<96x8192xf32, #tpu.memory_space<vmem_shared>> -> memref<1x8192xf32, #tpu.memory_space<vmem_shared>>
        %dma_wait3A_104 = arith.constant 0 : i32
        %dma_wait3A_105 = tpu.memref_slice %arg6[%add3A_73, %dma_wait3A_104] : memref<96x8192xf32, #tpu.memory_space<vmem_shared>> -> memref<1x8192xf32, #tpu.memory_space<vmem_shared>>
        %dma_wait3A_106 = arith.constant 0 : i32
        %dma_wait3A_107 = arith.constant 0 : i32
        %dma_wait3A_108 = tpu.memref_slice %arg5[%dma_wait3A_106, %dma_wait3A_107] : memref<1x8192xf32, #tpu.memory_space<vmem>> -> memref<1x8192xf32, #tpu.memory_space<vmem>>
        tpu.wait_dma2 semaphore(%run_scoped3A : memref<!tpu.dma_semaphore, #tpu.memory_space<semaphore_mem>>) src(%dma_wait3A_108 : memref<1x8192xf32, #tpu.memory_space<vmem>>) dst(%dma_wait3A_105 : memref<1x8192xf32, #tpu.memory_space<vmem_shared>>)
        tpu.yield
      }) : () -> ()
      %add3A_74 = arith.constant 3 : i32
      %add3A_75 = arith.addi %mul3A_4, %add3A_74 : i32
      %mul3A_76 = arith.constant 2 : i32
      %mul3A_77 = arith.muli %mul3A_76, %select_n3A : i32
      "tpu.region"() ({
        %run_scoped3A = tpu.sem_alloc : memref<!tpu.dma_semaphore, #tpu.memory_space<semaphore_mem>>
        %dma_start3A = tpu.memref_slice %arg3[%mul3A_77, %multiple_of3A] : memref<16x1048576xf32, #tpu.memory_space<hbm>> -> memref<1x8192xf32, #tpu.memory_space<hbm>>
        %dma_start3A_91 = arith.constant 0 : i32
        %dma_start3A_92 = tpu.memref_slice %arg6[%add3A_75, %dma_start3A_91] : memref<96x8192xf32, #tpu.memory_space<vmem_shared>> -> memref<1x8192xf32, #tpu.memory_space<vmem_shared>>
        tpu.enqueue_dma source(%dma_start3A_92 : memref<1x8192xf32, #tpu.memory_space<vmem_shared>>) target(%dma_start3A : memref<1x8192xf32, #tpu.memory_space<hbm>>) target_semaphore(%run_scoped3A : memref<!tpu.dma_semaphore, #tpu.memory_space<semaphore_mem>>)
        %dma_wait3A = tpu.memref_slice %arg3[%mul3A_77, %multiple_of3A] : memref<16x1048576xf32, #tpu.memory_space<hbm>> -> memref<1x8192xf32, #tpu.memory_space<hbm>>
        %dma_wait3A_93 = arith.constant 0 : i32
        %dma_wait3A_94 = tpu.memref_slice %arg6[%add3A_75, %dma_wait3A_93] : memref<96x8192xf32, #tpu.memory_space<vmem_shared>> -> memref<1x8192xf32, #tpu.memory_space<vmem_shared>>
        tpu.wait_dma2 semaphore(%run_scoped3A : memref<!tpu.dma_semaphore, #tpu.memory_space<semaphore_mem>>) src(%dma_wait3A_94 : memref<1x8192xf32, #tpu.memory_space<vmem_shared>>) dst(%dma_wait3A : memref<1x8192xf32, #tpu.memory_space<hbm>>)
        tpu.yield
      }) : () -> ()
      %mul3A_78 = arith.constant 4 : i32
      %mul3A_79 = arith.muli %mul3A_78, %select_n3A : i32
      %add3A_80 = arith.constant 3 : i32
      %add3A_81 = arith.addi %mul3A_79, %add3A_80 : i32
      %add3A_82 = arith.constant 4 : i32
      %add3A_83 = arith.addi %mul3A_4, %add3A_82 : i32
      "tpu.region"() ({
        %run_scoped3A = tpu.sem_alloc : memref<!tpu.dma_semaphore, #tpu.memory_space<semaphore_mem>>
        %dma_start3A = arith.constant 0 : i32
        %dma_start3A_91 = tpu.memref_slice %arg6[%add3A_83, %dma_start3A] : memref<96x8192xf32, #tpu.memory_space<vmem_shared>> -> memref<1x8192xf32, #tpu.memory_space<vmem_shared>>
        %dma_start3A_92 = tpu.memref_slice %arg2[%add3A_81, %multiple_of3A] : memref<32x1048576xf32, #tpu.memory_space<hbm>> -> memref<1x8192xf32, #tpu.memory_space<hbm>>
        tpu.enqueue_dma source(%dma_start3A_92 : memref<1x8192xf32, #tpu.memory_space<hbm>>) target(%dma_start3A_91 : memref<1x8192xf32, #tpu.memory_space<vmem_shared>>) target_semaphore(%run_scoped3A : memref<!tpu.dma_semaphore, #tpu.memory_space<semaphore_mem>>)
        %dma_wait3A = arith.constant 0 : i32
        %dma_wait3A_93 = tpu.memref_slice %arg6[%add3A_83, %dma_wait3A] : memref<96x8192xf32, #tpu.memory_space<vmem_shared>> -> memref<1x8192xf32, #tpu.memory_space<vmem_shared>>
        %dma_wait3A_94 = tpu.memref_slice %arg2[%add3A_81, %multiple_of3A] : memref<32x1048576xf32, #tpu.memory_space<hbm>> -> memref<1x8192xf32, #tpu.memory_space<hbm>>
        tpu.wait_dma2 semaphore(%run_scoped3A : memref<!tpu.dma_semaphore, #tpu.memory_space<semaphore_mem>>) src(%dma_wait3A_94 : memref<1x8192xf32, #tpu.memory_space<hbm>>) dst(%dma_wait3A_93 : memref<1x8192xf32, #tpu.memory_space<vmem_shared>>)
        tpu.yield
      }) : () -> ()
      %add3A_84 = arith.constant 4 : i32
      %add3A_85 = arith.addi %mul3A_4, %add3A_84 : i32
      %mul3A_86 = arith.constant 2 : i32
      %mul3A_87 = arith.muli %mul3A_86, %select_n3A : i32
      %add3A_88 = arith.constant 1 : i32
      %add3A_89 = arith.addi %mul3A_87, %add3A_88 : i32
      "tpu.region"() ({
        %run_scoped3A = tpu.sem_alloc : memref<!tpu.dma_semaphore, #tpu.memory_space<semaphore_mem>>
        %dma_start3A = tpu.memref_slice %arg3[%add3A_89, %multiple_of3A] : memref<16x1048576xf32, #tpu.memory_space<hbm>> -> memref<1x8192xf32, #tpu.memory_space<hbm>>
        %dma_start3A_91 = arith.constant 0 : i32
        %dma_start3A_92 = tpu.memref_slice %arg6[%add3A_85, %dma_start3A_91] : memref<96x8192xf32, #tpu.memory_space<vmem_shared>> -> memref<1x8192xf32, #tpu.memory_space<vmem_shared>>
        tpu.enqueue_dma source(%dma_start3A_92 : memref<1x8192xf32, #tpu.memory_space<vmem_shared>>) target(%dma_start3A : memref<1x8192xf32, #tpu.memory_space<hbm>>) target_semaphore(%run_scoped3A : memref<!tpu.dma_semaphore, #tpu.memory_space<semaphore_mem>>)
        %dma_wait3A = tpu.memref_slice %arg3[%add3A_89, %multiple_of3A] : memref<16x1048576xf32, #tpu.memory_space<hbm>> -> memref<1x8192xf32, #tpu.memory_space<hbm>>
        %dma_wait3A_93 = arith.constant 0 : i32
        %dma_wait3A_94 = tpu.memref_slice %arg6[%add3A_85, %dma_wait3A_93] : memref<96x8192xf32, #tpu.memory_space<vmem_shared>> -> memref<1x8192xf32, #tpu.memory_space<vmem_shared>>
        tpu.wait_dma2 semaphore(%run_scoped3A : memref<!tpu.dma_semaphore, #tpu.memory_space<semaphore_mem>>) src(%dma_wait3A_94 : memref<1x8192xf32, #tpu.memory_space<vmem_shared>>) dst(%dma_wait3A : memref<1x8192xf32, #tpu.memory_space<hbm>>)
        tpu.yield
      }) : () -> ()
      %scan3A_90 = arith.constant 0 : i32
      scf.yield %scan3A_90 : i32
    }
    %scan3A_10 = arith.constant 32 : i32
    return
  }
}

</mosaic_0001>

<sc_bundles>
// kernel: kernel.3.cloned.1.call-start
scs
__scs_entry_jumppad:
0x0: {  	(pc) =	sbr.rel $0x88, $3  }
0x1: {  	(tag) =	ssettag $0x0;
	lr =	simm.s32 $0x1  }
0x2: {  	[smem:$0x3FA0] =	sst lr;
	_ =	strace $0xD0000000  }
0x3: {  	_ = 	snop  }
0x4: {  	_ = 	snop  }
0x5: {  	_ = 	snop  }
0x6: {  	_ = 	snop  }
0x7: {  	_ = 	snop  }
__scs_overlays_trampoline_lowered:
0x8: {  	[smem:$0x3FAF] =	sst s0  }
0x9: {  	[smem:$0x3FB0] =	sst s1  }
0xa: {  	[smem:$0x3FB1] =	sst s2  }
0xb: {  	[smem:$0x3FB2] =	sst s3  }
0xc: {  	[smem:$0x3FB3] =	sst s4  }
0xd: {  	[smem:$0x3FB4] =	sst s5  }
0xe: {  	[smem:$0x3FB5] =	sst s6  }
0xf: {  	[smem:$0x3FB6] =	sst s7  }
0x10: {  	[smem:$0x3FB7] =	sst s8  }
0x11: {  	[smem:$0x3FB8] =	sst s9;
	s0 =	simm.s32 @!p0 $0x0  }
0x12: {  	s1 =	sld [smem:$0x3F9E];
	s0 =	simm.s32 @p0 $0x1  }
0x13: {  	[smem:$0x3FB9] =	sst s0;
	s0 =	simm.s32 @!p1 $0x0  }
0x14: {  	s2 =	sld [smem:$0x3F9D];
	s0 =	simm.s32 @p1 $0x1  }
0x15: {  	[smem:$0x3FBA] =	sst s0;
	s0 =	simm.s32 @!p2 $0x0  }
0x16: {  	s3 =	sld [smem:$0x3FDB];
	s0 =	simm.s32 @p2 $0x1  }
0x17: {  	s4 =	simm.s32 $0x1BF5;
	[smem:$0x3FBC] =	sst s0  }
0x18: {  	s0 =	sld [smem:$0x3F9F];
	_ =	swait.ge [sflag:s4], $0x0  }
0x19: {  	s7 =	sld [smem:$0x3FA0]  }
0x1a: {  	s8 =	sadd.s32 $0xFFFFE003, lr  }
0x1b: {  	s9 =	sadd.s32 $0xFFFFFEF7, lr;
	s5 =	simm.s32 $0xFFFFFFFF;
	p2 =	slt.u32 s8, $0xFFFFF086  }
0x1c: {  	p1 =	slt.u32 s9, $0xF7A;
	s5 =	simm.s32 @!p2 $0x0  }
0x1d: {  	s5 =	simm.s32 @p1 $0x1;
	p0 =	seq.s32 s7, s2  }
0x1e: {  	s7 =	smul.u32 @!p0 $0xF7A, s2;
	p2 =	seq.s32 @!p0 s5, $0x0  }
0x1f: {  	s9 =	smul.u32 $0xF7A, s1;
	s8 =	simm.s32 @!p0 $0x1BF5;
	p2 =	por !p2, p0  }
0x20: {  	[sflag:s8] =	ssyncset.s32 @!p0 $0xFFFFF086;
	s6 =	sadd.s32 @!p0 s3, s7;
	s7 =	simm.s32 @!p0 $0x108  }
0x21: {  	s3 =	sadd.s32 s3, s9;
	s6 =	sadd.s32 @!p0 $0x88, s6;
	s7 =	simm.s32 @p2 $0x1082  }
0x22: {  	[simem:s7], [sflag:s8] =	dma.local @!p0 [hbm:s6], $0xF7A  }
0x23: {  	s9 =	sor.u32 $0xD0000000, s2;
	s6 =	simm.s32 $0x108;
	_ =	swait.ge @!p0 [sflag:s8], $0x0  }
0x24: {  	s3 =	sadd.s32 $0x88, s3;
	s6 =	simm.s32 @!p1 $0x1082;
	[sflag:s4] =	ssyncset.s32 $0xFFFFF086  }
0x25: {  	[simem:s6], [sflag:s4] =	dma.local [hbm:s3], $0xF7A  }
0x26: {  	[smem:$0x3FA0] =	sst s1;
	(tag) =	ssettag s2;
	_ =	strace s9  }
0x27: {  	s1 =	sld [smem:$0x3FB0]  }
0x28: {  	s2 =	sld [smem:$0x3FB1]  }
0x29: {  	s4 =	sld [smem:$0x3FB3]  }
0x2a: {  	p0 =	seq.s32 s5, $0x0;
	s5 =	sld [smem:$0x3FB4]  }
0x2b: {  	s6 =	sld [smem:$0x3FB5]  }
0x2c: {  	s7 =	sld [smem:$0x3FB6]  }
0x2d: {  	s3 =	simm.s32 $0x108;
	s8 =	sld [smem:$0x3FB7]  }
0x2e: {  	s3 =	simm.s32 @!p0 $0x1082;
	s9 =	sld [smem:$0x3FB8]  }
0x2f: {  	lr =	sadd.s32 s0, s3;
	s0 =	sld [smem:$0x3FAF]  }
0x30: {  	s3 =	sld [smem:$0x3FB2]  }
0x31: {  	[smem:$0x3FBB] =	sst s10  }
0x32: {  	s10 =	sld [smem:$0x3FB9];
	_ =	sdelay $0x3  }
0x33: {  	p0 =	seq.s32 s10, $0x1;
	s10 =	sld [smem:$0x3FBB];
	_ =	sdelay $0x3  }
0x34: {  	[smem:$0x3FBB] =	sst s10  }
0x35: {  	s10 =	sld [smem:$0x3FBA];
	_ =	sdelay $0x3  }
0x36: {  	p1 =	seq.s32 s10, $0x1;
	s10 =	sld [smem:$0x3FBB];
	_ =	sdelay $0x3  }
0x37: {  	[smem:$0x3FBB] =	sst s10  }
0x38: {  	s10 =	sld [smem:$0x3FBC]  }
0x39: {  	_ = 	snop;
	(pc) =	sbr.ind lr, $3  }
0x3a: {  	_ = 	snop  }
0x3b: {  	_ = 	snop  }
0x3c: {  	p2 =	seq.s32 s10, $0x1;
	s10 =	sld [smem:$0x3FBB]  }
0x3d: {  	_ =	shalt  }
0x3e: {  	_ =	shalt  }
0x3f: {  	_ =	shalt  }
0x40: {  	_ =	shalt  }
0x41: {  	_ =	shalt  }
0x42: {  	_ =	shalt  }
0x43: {  	_ =	shalt  }
0x44: {  	_ =	shalt  }
0x45: {  	_ =	shalt  }
0x46: {  	_ =	shalt  }
0x47: {  	_ =	shalt  }
0x48: {  	_ =	shalt  }
0x49: {  	_ =	shalt  }
0x4a: {  	_ =	shalt  }
0x4b: {  	_ =	shalt  }
0x4c: {  	_ =	shalt  }
0x4d: {  	_ =	shalt  }
0x4e: {  	_ =	shalt  }
0x4f: {  	_ =	shalt  }
0x50: {  	_ =	shalt  }
0x51: {  	_ =	shalt  }
0x52: {  	_ =	shalt  }
0x53: {  	_ =	shalt  }
0x54: {  	_ =	shalt  }
0x55: {  	_ =	shalt  }
0x56: {  	_ =	shalt  }
0x57: {  	_ =	shalt  }
0x58: {  	_ =	shalt  }
0x59: {  	_ =	shalt  }
0x5a: {  	_ =	shalt  }
0x5b: {  	_ =	shalt  }
0x5c: {  	_ =	shalt  }
0x5d: {  	_ =	shalt  }
0x5e: {  	_ =	shalt  }
0x5f: {  	_ =	shalt  }
0x60: {  	_ =	shalt  }
0x61: {  	_ =	shalt  }
0x62: {  	_ =	shalt  }
0x63: {  	_ =	shalt  }
0x64: {  	_ =	shalt  }
0x65: {  	_ =	shalt  }
0x66: {  	_ =	shalt  }
0x67: {  	_ =	shalt  }
0x68: {  	_ =	shalt  }
0x69: {  	_ =	shalt  }
0x6a: {  	_ =	shalt  }
0x6b: {  	_ =	shalt  }
0x6c: {  	_ =	shalt  }
0x6d: {  	_ =	shalt  }
0x6e: {  	_ =	shalt  }
0x6f: {  	_ =	shalt  }
0x70: {  	_ =	shalt  }
0x71: {  	_ =	shalt  }
0x72: {  	_ =	shalt  }
0x73: {  	_ =	shalt  }
0x74: {  	_ =	shalt  }
0x75: {  	_ =	shalt  }
0x76: {  	_ =	shalt  }
0x77: {  	_ =	shalt  }
0x78: {  	_ =	shalt  }
0x79: {  	_ =	shalt  }
0x7a: {  	_ =	shalt  }
0x7b: {  	_ =	shalt  }
0x7c: {  	_ =	shalt  }
0x7d: {  	_ =	shalt  }
0x7e: {  	_ =	shalt  }
0x7f: {  	_ =	shalt  }
0x80: {  	_ =	shalt  }
0x81: {  	_ =	shalt  }
0x82: {  	_ =	shalt  }
0x83: {  	_ =	shalt  }
0x84: {  	_ =	shalt  }
0x85: {  	_ =	shalt  }
0x86: {  	_ =	shalt  }
0x87: {  	_ =	shalt  }
.Lfunc_end0:
.L_simem_size_0:
called_computation_lowered:
.L_overlay_start_0:
0x88: {  	s2 =	sld [smem:$0x3FD9]  }
0x89: {  	s3 =	sld [smem:$0x3FFE];
	_ =	sdelay $0x1  }
0x8a: {  	s1 =	srdreg.scid  }
0x8b: {  	s0 =	sand.u32 $0x1, s1  }
0x8c: {  	s16 =	sshll.u32 s0, $0xA;
	s2 =	sadd.s32 s3, s2  }
0x8d: {  	s2 =	sadd.s32 s2, s16  }
0x8e: {  	[smem:$0x3FC7] =	sst s2  }
0x8f: {  	_ = 	snop  }
0x90: {  	(tm) =	ssettm $0x1  }
0x91: {  	s17 =	sld [smem:$0x3FFB];
	_ =	sdelay $0x3  }
0x92: {  	_ =	strace s17  }
0x93: {  	s2 =	sld [smem:$0x3FFC];
	_ =	sdelay $0x3  }
0x94: {  	_ =	strace s2  }
0x95: {  	s2 =	sld [smem:$0x3FFD];
	_ =	sdelay $0x3  }
0x96: {  	_ =	strace s2  }
0x97: {  	_ =	strace $0x8FFFFFFF  }
0x98: {  	s18 =	sld [smem:$0x3FDB];
	_ =	sdelay $0x1  }
0x99: {  	s19 =	simm.s32 $_scs_section_size  }
0x9a: {  	s4 =	simm.s32 $_size__tile_overlayer_lowered;
	s5 =	simm.s32 $_tile_overlayer_lowered  }
0x9b: {  	s22 =	simm.s32 $0x1BFF;
	s21 =	sshll.u32 s5, $0x1;
	s2 =	sadd.s32 s19, s18  }
0x9c: {  	s6 =	simm.s32 $0x0;
	s20 =	sshll.u32 s4, $0x1;
	s4 =	sadd.s32 s21, s2  }
0x9d: {  	[timem:s6], [sflag:s22] =	dma.local [hbm:s4], s20  }
0x9e: {  	_ =	swait.ge [sflag:s22], s20  }
0x9f: {  	s3 =	ssub.s32 $0x0, s20;
	[sflag:s22] =	ssyncset.done $0x0  }
0xa0: {  	[sflag:s22] =	ssyncadd.s32 s3;
	_ =	sdelay $0x1  }
0xa1: {  	s23 =	simm.s32 $0x1B8B  }
0xa2: {  	_ =	swait.ge [sflag:s23], $0x1  }
0xa3: {  	[sflag:s23] =	ssyncset.done $0x0  }
0xa4: {  	s25 =	simm.s32 $0x1B8E;
	s24 =	sld [smem:$0x3FFE];
	[sflag:s23] =	ssyncadd.s32 $0xFFFFFFFF  }
0xa5: {  	s26 =	simm.s32 $execute0_lowered;
	[smem:$0x3FD2] =	sst s25  }
0xa6: {  	s4 =	sshll.u32 s26, $0x1;
	_ =	strace $0x80000046;
	[dreg:$0x1] =	wrdreg $0xFFFFFFFF  }
0xa7: {  	s28 =	simm.s32 $_size_execute0_lowered;
	s2 =	sadd.s32 s2, s4;
	[dreg:$0x0] =	wrdreg $0x0  }
0xa8: {  	s4 =	sshll.u32 s28, $0x1;
	[dreg:$0x2] =	wrdreg s2  }
0xa9: {  	[dreg:$0x3] =	wrdreg s4  }
0xaa: {  	[dreg:$0x4] =	wrdreg $0xC0  }
0xab: {  	_ =	task [dreg:s6], $0x5FFFF  }
0xac: {  	[dreg:$0x1] =	wrdreg $0xFFFFFFFF  }
0xad: {  	[dreg:$0x0] =	wrdreg $0x60  }
0xae: {  	[dreg:$0x2] =	wrdreg s24  }
0xaf: {  	[dreg:$0x3] =	wrdreg $0xA0000  }
0xb0: {  	[dreg:$0x4] =	wrdreg $0x9  }
0xb1: {  	_ =	task.clear_ibuf [dreg:s6], $0x5FFFF;
	_ =	strace $0x90000046  }
0xb2: {  	s29 =	simm.s32 $0x9;
	_ =	strace $0x80000048  }
0xb3: {  	_ =	swait.ge [sflag:s29], $0x1  }
0xb4: {  	[sflag:s29] =	ssyncadd.s32 $0xFFFFFFFF  }
0xb5: {  	_ =	strace $0x90000048  }
0xb6: {  	_ =	sfence  }
0xb7: {  	s30 =	sld [smem:$0x0];
	_ =	sdelay $0x2  }
0xb8: {  	s31 =	sshll.u32 s1, $0xD;
	s1 =	sshrl.u32 s1, $0x2  }
0xb9: {  	s3 =	sand.u32 $0x4000, s31;
	s1 =	sadd.s32 s1, s30  }
0xba: {  	s0 =	sor.u32 s3, s0;
	s1 =	sshll.u32 s1, $0x11  }
0xbb: {  	s0 =	sor.u32 s1, s0  }
0xbc: {  	s0 =	sadd.s32 $0x8F2B, s0  }
0xbd: {  	[sflag:s0] =	ssyncadd.remote.s32 $0x1  }
0xbe: {  	_ =	sfence.sel $0xFFFF  }
0xbf: {  	[dreg:$0x0] =	wrdreg $0xFFFFFFFF;
	(pc) =	sbr.abs _section_cstart, $3  }
0xc0: {  	[dreg:$0x1] =	wrdreg $0xFFFFFFFF  }
0xc1: {  	_ =	task.clear_ibuf [dreg:s6], $0x2FFFF;
	_ =	strace $0x9FFFFFFF  }
0xc2: {  	(tm) =	ssettm $0x7FFFFFFF  }
0xc3: {  	_ =	shalt  }
tec
execute0_lowered:
.L_overlay_start_1:
0x0: {  	(tag) =	ssettag $0x1  }
0x1: {  	s4 =	rddreg [dreg:$0x0]  }
0x2: {  	s10 =	rddreg [dreg:$0x1]  }
0x3: {  	s0 =	rddreg [dreg:$0x2]  }
0x4: {  	s2 =	simm.s32 $0x0;
	s3 =	srdreg.scid;
	s1 =	stileid.u32  }
0x5: {  	s17 =	simm.s32 $0x400;
	s18 =	simm.s32 $0x8000;
	[smem:$0x7FF] =	sst s2  }
0x6: {  	s5 =	sand.u32 $0x1, s3;
	s3 =	sadd.s32 $0x400, s4;
	s9 =	smul.u32 $0x6, s1  }
0x7: {  	s4 =	sadd.s32 $0x400400, s4;
	s8 =	smul.u32 $0x300, s1;
	s11 =	sshll.u32 s1, $0x13  }
0x8: {  	s12 =	smul.u32 $0xC000, s1;
	s31 =	sshll.u32 s1, $0x6;
	s6 =	ssub.s32 $0x2, s5  }
0x9: {  	_ =	strace $0x80000047;
	s5 =	sshll.u32 s5, $0x12;
	s7 =	sshrl.u32 s6, $0x1  }
0xa: {  	s5 =	sor.u32 s5, s11;
	s21 =	sadd.s32 $0x2, s9;
	s22 =	sand.u32 $0x300, s8  }
0xb: {  	s23 =	sand.u32 $0xF0000, s12;
	s28 =	sadd.s32 $0x3, s9;
	s9 =	sadd.s32 $0x4, s9  }
0xc: {  	s13 =	ssub.s32 s6, s7;
	s24 =	sshll.u32 s21, $0xD;
	s8 =	sadd.s32 s23, s10  }
0xd: {  	s25 =	sshll.u32 s21, $0x7;
	s29 =	sshll.u32 s28, $0xD;
	s14 =	sshll.u32 s9, $0xD  }
0xe: {  	s15 =	sshll.u32 s9, $0x7;
	s11 =	sand.u32 $0x1F0000, s24;
	s6 =	sadd.s32 s22, s8  }
0xf: {  	s26 =	sand.u32 $0x300, s25;
	s12 =	sand.u32 $0x1F0000, s29;
	s14 =	sand.u32 $0x1F0000, s14  }
0x10: {  	s30 =	sand.u32 $0x300, s15;
	s11 =	sadd.s32 s11, s10;
	s7 =	sadd.s32 $0x80, s6  }
0x11: {  	s12 =	sadd.s32 s12, s10;
	s10 =	sadd.s32 s14, s10;
	s14 =	simm.s32 $0x80  }
0x12: {  	s8 =	sadd.s32 s26, s11;
	s11 =	sshll.u32 s28, $0x7;
	s19 =	sadd.s32 s30, s10  }
0x13: {  	s10 =	smax.u32 s13, $0x1;
	s13 =	simm.s32 $0x1;
	s15 =	sshrl.u32 s7, $0x3  }
0x14: {  	s11 =	sand.u32 $0x380, s11;
	s16 =	sshrl.u32 s8, $0x3;
	s19 =	sshrl.u32 s19, $0x3  }
0x15: {  	s9 =	sadd.s32 s11, s12;
	s11 =	sor.u32 $0x1C01, s31;
	s12 =	sshrl.u32 s6, $0x3  }
.LBB2_1:
0x16: {  	s20 =	simm.s32 $0x0  }
.LBB2_2:
0x17: {  	s21 =	sshll.u32 s20, $0x10;
	s22 =	sshll.u32 s20, $0x7;
	s23 =	sshll.u32 s20, $0x14  }
0x18: {  	s21 =	sand.u32 $0x30000, s21;
	s24 =	sand.u32 $0x200, s22;
	s23 =	sand.u32 $0x1800000, s23  }
0x19: {  	s22 =	sor.u32 s5, s21;
	s29 =	sor.u32 s24, s23  }
0x1a: {  	s21 =	sor.u32 s22, s29  }
0x1b: {  	s21 =	sshrl.u32 s21, $0x3  }
0x1c: {  	s30 =	sadd.s32 s3, s21  }
0x1d: {  	[spmem:s12@s14], [sflag:s11] =	dma.strided [hbm:s30@s14], $0x400, s13, $0x10   }
0x1e: {  	_ =	swait.ge [sflag:s13], $0x400  }
0x1f: {  	[sflag:s13] =	ssyncset.done $0x0  }
0x20: {  	s31 =	sadd.s32 $0x10, s30;
	[sflag:s13] =	ssyncadd.s32 $0xFFFFFC00  }
0x21: {  	[spmem:s15@s14], [sflag:s11] =	dma.strided [hbm:s31@s14], $0x400, s13, $0x10   }
0x22: {  	_ =	swait.ge [sflag:s13], $0x400  }
0x23: {  	[sflag:s13] =	ssyncset.done $0x0  }
0x24: {  	s23 =	sadd.s32 $0x20, s30;
	[sflag:s13] =	ssyncadd.s32 $0xFFFFFC00  }
0x25: {  	[spmem:s16@s14], [sflag:s11] =	dma.strided [hbm:s23@s14], $0x400, s13, $0x10   }
0x26: {  	s28 =	simm.s32 $0x0;
	_ =	swait.ge [sflag:s13], $0x400  }
0x27: {  	s25 =	sadd.s32 $0x400, s6;
	s26 =	smov.u32 s6;
	[sflag:s13] =	ssyncset.done $0x0  }
0x28: {  	s24 =	simm.s32 $0x800;
	s23 =	sshrl.u32 s20, $0x2;
	[sflag:s13] =	ssyncadd.s32 $0xFFFFFC00  }
.LBB2_3:
0x29: {  	[tilespmem:s28], [sflag:$0x1] =	stream.linear.gather [spmem:s26], $0x80, $0x38;
	[tilespmem:$0x16000] =	vst v63  }
0x2a: {  	s28 =	smov.u32 s24;
	s26 =	smov.u32 s25;
	p0 =	sne.s32 s24, $0x1F800  }
.Ltmp0:
0x2b: {  	s24 =	sadd.s32 $0x800, s24;
	(pc) =	sbr.rel @p0 .LBB2_3-.Ltmp0, $2  }
0x2c: {  	_ =	sdelay $0x2  }
0x2d: {  	s25 =	sadd.s32 $0x400, s25;
	s28 =	sshra.s32 s28, $0x2  }
0x2e: {  	[tilespmem:s28], [sflag:$0x1] =	stream.linear.gather [spmem:s26], $0x80, $0x38;
	[tilespmem:$0x16000] =	vst v63  }
0x2f: {  	_ =	swait.ge [sflag:s13], $0x2000  }
0x30: {  	[sflag:s13] =	ssyncset.done $0x0  }
0x31: {  	s24 =	simm.s32 $0x80;
	[sflag:s13] =	ssyncadd.s32 $0xFFFFE000  }
0x32: {  	[tilespmem:s24], [sflag:$0x1] =	stream.linear.gather [spmem:s7], $0x80, $0x38;
	[tilespmem:$0x16000] =	vst v63  }
0x33: {  	s25 =	smov.u32 s7;
	s24 =	simm.s32 $0x800  }
.LBB2_5:
0x34: {  	p0 =	sne.s32 s24, $0x1F800  }
.Ltmp1:
0x35: {  	_ = 	snop;
	(pc) =	sbr.rel @p0 .LBB2_5-.Ltmp1, $4  }
0x36: {  	_ = 	snop  }
0x37: {  	s26 =	sshra.s32 s24, $0x2;
	s24 =	sadd.s32 $0x800, s24  }
0x38: {  	s25 =	sadd.s32 $0x400, s25;
	s26 =	sadd.s32 $0x80, s26  }
0x39: {  	[tilespmem:s26], [sflag:$0x1] =	stream.linear.gather [spmem:s25], $0x80, $0x38;
	[tilespmem:$0x16000] =	vst v63  }
0x3a: {  	_ =	swait.ge [sflag:s13], $0x2000  }
0x3b: {  	[sflag:s13] =	ssyncset.done $0x0  }
0x3c: {  	s24 =	simm.s32 $0x100;
	[sflag:s13] =	ssyncadd.s32 $0xFFFFE000  }
0x3d: {  	[tilespmem:s24], [sflag:$0x1] =	stream.linear.gather [spmem:s8], $0x80, $0x38;
	[tilespmem:$0x16000] =	vst v63  }
0x3e: {  	s25 =	smov.u32 s8;
	s24 =	simm.s32 $0x800  }
.LBB2_7:
0x3f: {  	p0 =	sne.s32 s24, $0x1F800  }
.Ltmp2:
0x40: {  	_ = 	snop;
	(pc) =	sbr.rel @p0 .LBB2_7-.Ltmp2, $4  }
0x41: {  	_ = 	snop  }
0x42: {  	s26 =	sshra.s32 s24, $0x2;
	s24 =	sadd.s32 $0x800, s24  }
0x43: {  	s25 =	sadd.s32 $0x400, s25;
	s26 =	sadd.s32 $0x100, s26  }
0x44: {  	[tilespmem:s26], [sflag:$0x1] =	stream.linear.gather [spmem:s25], $0x80, $0x38;
	[tilespmem:$0x16000] =	vst v63  }
0x45: {  	_ =	swait.ge [sflag:s13], $0x2000  }
0x46: {  	[sflag:s13] =	ssyncset.done $0x0  }
0x47: {  	s26 =	simm.s32 $0xC0;
	[sflag:s13] =	ssyncadd.s32 $0xFFFFE000  }
0x48: {  	v0 =	vld [tilespmem:s26+$0xFFFFFFB0]  }
0x49: {  	v1 =	vld [tilespmem:s26+$0x30]  }
0x4a: {  	v3 =	vld [tilespmem:s26+$0xFFFFFFC0]  }
0x4b: {  	v2 =	vld [tilespmem:s26+$0xB0]  }
0x4c: {  	v4 =	vld [tilespmem:s26+$0xFFFFFF50]  }
0x4d: {  	v5 =	vld [tilespmem:s26+$0xFFFFFFD0]  }
0x4e: {  	v6 =	vld [tilespmem:s26+$0xFFFFFF60]  }
0x4f: {  	v7 =	vld [tilespmem:s26+$0xFFFFFFE0]  }
0x50: {  	v9 =	vld [tilespmem:s26+$0xFFFFFF70]  }
0x51: {  	v10 =	vld [tilespmem:s26+$0xFFFFFFF0]  }
0x52: {  	v11 =	vld [tilespmem:s26+$0xFFFFFF80]  }
0x53: {  	v12 =	vld [tilespmem:s26+$0x0]  }
0x54: {  	v13 =	vld [tilespmem:s26+$0xFFFFFF90]  }
0x55: {  	v14 =	vld [tilespmem:s26+$0x10]  }
0x56: {  	v15 =	vld [tilespmem:s26+$0xFFFFFFA0]  }
0x57: {  	v16 =	vld [tilespmem:s26+$0x20]  }
0x58: {  	v17 =	vld [tilespmem:s26+$0xFFFFFF40]  }
0x59: {  	v18 =	vld [tilespmem:s26+$0x40]  }
0x5a: {  	v19 =	vld [tilespmem:s26+$0x50];
	v0 =	vadd.f32 v1, v0  }
0x5b: {  	v8 =	vld [tilespmem:s26+$0x60];
	v21 =	vadd.f32 v5, v4;
	v1 =	vadd.f32 v7, v6  }
0x5c: {  	v5 =	vld [tilespmem:s26+$0x70];
	v4 =	vadd.f32 v16, v15;
	v20 =	vadd.f32 v2, v0  }
0x5d: {  	v6 =	vld [tilespmem:s26+$0x80];
	v0 =	vadd.f32 v10, v9;
	v9 =	vadd.f32 v3, v17  }
0x5e: {  	s24 =	simm.s32 $0x8040;
	v7 =	vld [tilespmem:s26+$0x90];
	v2 =	vadd.f32 v12, v11;
	v3 =	vadd.f32 v14, v13  }
0x5f: {  	s25 =	simm.s32 $0x0;
	v10 =	vadd.f32 v19, v21;
	[tilespmem:s24+$0x30] =	vst v20;
	v11 =	vadd.f32 v18, v9;
	v9 =	vld [tilespmem:s26+$0xA0];
	s26 =	simm.s32 $0x2C0  }
.LBB2_9:
0x60: {  	v12 =	vld [tilespmem:s26+$0xFFFFFFB0];
	v1 =	vadd.f32 v8, v1  }
0x61: {  	s25 =	sadd.s32 $0x80, s25;
	v8 =	vld [tilespmem:s26+$0x30];
	[tilespmem:s24+$0xFFFFFFC0] =	vst v11;
	v0 =	vadd.f32 v5, v0  }
0x62: {  	p0 =	slt.u32 s25, $0x1F80;
	v11 =	vld [tilespmem:s26+$0xFFFFFFC0];
	[tilespmem:s24+$0xFFFFFFD0] =	vst v10;
	v2 =	vadd.f32 v6, v2  }
0x63: {  	v5 =	vld [tilespmem:s26+$0xB0];
	[tilespmem:s24+$0xFFFFFFE0] =	vst v1;
	v1 =	vadd.f32 v7, v3  }
0x64: {  	v3 =	vld [tilespmem:s26+$0xFFFFFF50];
	[tilespmem:s24+$0xFFFFFFF0] =	vst v0;
	v0 =	vadd.f32 v9, v4  }
0x65: {  	v4 =	vld [tilespmem:s26+$0xFFFFFFD0];
	[tilespmem:s24+$0x0] =	vst v2  }
0x66: {  	v2 =	vld [tilespmem:s26+$0xFFFFFF60];
	v6 =	vadd.f32 v8, v12;
	[tilespmem:s24+$0x10] =	vst v1  }
0x67: {  	v1 =	vld [tilespmem:s26+$0xFFFFFFE0];
	[tilespmem:s24+$0x20] =	vst v0  }
0x68: {  	v0 =	vld [tilespmem:s26+$0xFFFFFF70];
	v5 =	vadd.f32 v5, v6  }
0x69: {  	s24 =	sadd.s32 $0x80, s24;
	v6 =	vld [tilespmem:s26+$0xFFFFFFF0]  }
0x6a: {  	v9 =	vadd.f32 v4, v3;
	v3 =	vld [tilespmem:s26+$0xFFFFFF80];
	[tilespmem:s24+$0x30] =	vst v5  }
0x6b: {  	v4 =	vld [tilespmem:s26+$0x0]  }
0x6c: {  	v1 =	vadd.f32 v1, v2;
	v5 =	vld [tilespmem:s26+$0xFFFFFF90]  }
0x6d: {  	v7 =	vld [tilespmem:s26+$0x10]  }
0x6e: {  	v0 =	vadd.f32 v6, v0;
	v6 =	vld [tilespmem:s26+$0xFFFFFFA0]  }
0x6f: {  	v10 =	vld [tilespmem:s26+$0x20]  }
0x70: {  	v12 =	vld [tilespmem:s26+$0xFFFFFF40];
	v2 =	vadd.f32 v4, v3  }
0x71: {  	v13 =	vld [tilespmem:s26+$0x40]  }
0x72: {  	v14 =	vld [tilespmem:s26+$0x50];
	v3 =	vadd.f32 v7, v5  }
.Ltmp3:
0x73: {  	v8 =	vld [tilespmem:s26+$0x60];
	(pc) =	sbr.rel @p0 .LBB2_9-.Ltmp3, $4  }
0x74: {  	v5 =	vld [tilespmem:s26+$0x70];
	v4 =	vadd.f32 v10, v6  }
0x75: {  	v10 =	vadd.f32 v11, v12;
	v6 =	vld [tilespmem:s26+$0x80]  }
0x76: {  	v7 =	vld [tilespmem:s26+$0x90]  }
0x77: {  	v11 =	vadd.f32 v13, v10;
	v10 =	vadd.f32 v14, v9;
	v9 =	vld [tilespmem:s26+$0xA0];
	s26 =	sadd.s32 $0x200, s26  }
0x78: {  	_ = 	snop  }
0x79: {  	v1 =	vadd.f32 v8, v1;
	[tilespmem:s24+$0xFFFFFFC0] =	vst v11  }
0x7a: {  	v0 =	vadd.f32 v5, v0;
	[tilespmem:s24+$0xFFFFFFD0] =	vst v10  }
0x7b: {  	v2 =	vadd.f32 v6, v2;
	[tilespmem:s24+$0xFFFFFFE0] =	vst v1  }
0x7c: {  	v62 =	vadd.f32 v7, v3;
	[tilespmem:s24+$0xFFFFFFF0] =	vst v0  }
0x7d: {  	v63 =	vadd.f32 v9, v4;
	[tilespmem:s24+$0x0] =	vst v2  }
0x7e: {  	s28 =	sshll.u32 s23, $0x8;
	s29 =	sshll.u32 s23, $0x15;
	[tilespmem:s24+$0x10] =	vst v62  }
0x7f: {  	s23 =	sand.u32 $0x800000, s29;
	[tilespmem:s24+$0x20] =	vst v63;
	s24 =	sand.u32 $0x300, s28  }
0x80: {  	[spmem:s9] =	stream.strided.scatter [tilespmem:s18], [sflag:$0x1], $0x2000, s17, s14, $0x38;
	[tilespmem:$0x16000] =	vst v63  }
0x81: {  	s23 =	sor.u32 s24, s23  }
0x82: {  	_ =	swait.ge [sflag:s13], $0x2000;
	s22 =	sor.u32 s22, s23  }
0x83: {  	[sflag:s13] =	ssyncset.done $0x0;
	s22 =	sshrl.u32 s22, $0x3  }
0x84: {  	s30 =	sshrl.u32 s9, $0x3;
	[sflag:s13] =	ssyncadd.s32 $0xFFFFE000;
	s22 =	sadd.s32 s4, s22  }
0x85: {  	[hbm:s22@s14], [sflag:s11] =	dma.strided [spmem:s30@s14], $0x400, s13, $0x10   }
0x86: {  	_ =	swait.ge [sflag:s13], $0x400  }
0x87: {  	s21 =	sadd.s32 s21, s3;
	[sflag:s13] =	ssyncset.done $0x0  }
0x88: {  	s21 =	sadd.s32 $0x30, s21;
	[sflag:s13] =	ssyncadd.s32 $0xFFFFFC00  }
0x89: {  	[spmem:s19@s14], [sflag:s11] =	dma.strided [hbm:s21@s14], $0x400, s13, $0x10   }
0x8a: {  	s20 =	sadd.s32 $0x1, s20;
	_ =	swait.ge [sflag:s13], $0x400  }
0x8b: {  	p0 =	sne.s32 s20, $0x20;
	[sflag:s13] =	ssyncset.done $0x0  }
.Ltmp4:
0x8c: {  	s31 =	sadd.s32 $0x10, s22;
	[sflag:s13] =	ssyncadd.s32 $0xFFFFFC00;
	(pc) =	sbr.rel @p0 .LBB2_2-.Ltmp4, $4  }
0x8d: {  	[hbm:s31@s14], [sflag:s11] =	dma.strided [spmem:s19@s14], $0x400, s13, $0x10   }
0x8e: {  	_ =	swait.ge [sflag:s13], $0x400  }
0x8f: {  	[sflag:s13] =	ssyncset.done $0x0  }
0x90: {  	[sflag:s13] =	ssyncadd.s32 $0xFFFFFC00  }
0x91: {  	s2 =	sadd.s32 $0x1, s2  }
0x92: {  	p0 =	sne.s32 s2, s10  }
.Ltmp5:
0x93: {  	_ = 	snop;
	(pc) =	sbr.rel @p0 .LBB2_1-.Ltmp5, $1  }
0x94: {  	_ =	sdelay $0x3  }
0x95: {  	_ =	sfence.sel $0x180000  }
0x96: {  	[bflag:$0x0] =	sbarrier.arrive $0xFFFF  }
0x97: {  	p0 =	sne.s32 s1, $0x0;
	_ =	strace $0x90000047  }
0x98: {  	s0 =	sadd.s32 @!p0 $0x100000, s0;
	[bflag:$0x2] =	sbarrier.arrive $0xFFFF  }
0x99: {  	[sflag:s0] =	ssyncadd.tile.s32 @!p0 $0x1;
	_ =	shalt  }
.Lfunc_end2:
_tile_overlayer_lowered:
.L_overlay_start_2:
0x9a: {  	(tag) =	ssettag $0x2  }
0x9b: {  	s0 =	rddreg [dreg:$0x0];
	s2 =	stileid.u32  }
0x9c: {  	s1 =	rddreg [dreg:$0x1];
	p0 =	sne.s32 s2, $0x0  }
0x9d: {  	s3 =	rddreg [dreg:$0x2];
	[bflag:$0x3] =	sbarrier.arrive $0xFFFF;
	s2 =	simm.s32 @!p0 $0x1C01  }
0x9e: {  	[timem:s3], [sflag:s2] =	dma.local @!p0 [hbm:s0], s1  }
0x9f: {  	s0 =	simm.s32 @!p0 $0x1  }
0xa0: {  	_ =	swait.ge @!p0 [sflag:s0], s1  }
0xa1: {  	s1 =	ssub.s32 @!p0 $0x0, s1;
	[sflag:s0] =	ssyncset.done @!p0 $0x0  }
0xa2: {  	[sflag:s0] =	ssyncadd.s32 @!p0 s1  }
0xa3: {  	[bflag:$0x3] =	sbarrier.arrive $0xFFFF  }
0xa4: {  	_ =	shalt  }

</sc_bundles>
